<compile_context>
chip_gen: v7x
topology: tpu7x:2x2x1
jax: 0.10.2.dev20260603
libtpu: 0.0.44.dev20260713+nightly
codegen_flags: <defaults>
</compile_context>

<pallas_src>
import functools

import jax
import jax.numpy as jnp
from jax import lax
from jax.experimental import pallas as pl
from jax.experimental.pallas import tpu as pltpu
from jax.experimental.pallas import tpu_sc as plsc

COMMITMENT_COST = 0.25
K = 8192
D = 32
N = 8192
BT = 256
G = N // BT

NC = 2
NS = 16
NW = NC * NS
BW = N // NW


def _vq_tc_body(x_ref, et_ref, xsq_ref, esq_ref, enc_ref, idx_ref, ppl_ref,
                cnt_ref):
    i = pl.program_id(0)
    mm = jnp.dot(x_ref[...], et_ref[...], preferred_element_type=jnp.float32)
    dist = (xsq_ref[...] + esq_ref[...]) + mm
    H = K // 2
    d0 = dist[:, :H]
    d1 = dist[:, H:]
    m0 = jnp.min(d0, axis=1, keepdims=True)
    m1 = jnp.min(d1, axis=1, keepdims=True)
    half_iota = lax.broadcasted_iota(jnp.int32, (BT, H), 1)
    i0 = jnp.min(jnp.where(d0 == m0, half_iota, jnp.int32(K)), axis=1)
    i1 = jnp.min(jnp.where(d1 == m1, half_iota, jnp.int32(K)), axis=1) + H
    m0b = m0.astype(jnp.bfloat16).astype(jnp.float32)
    idx = jnp.where(m1[:, 0] < m0b[:, 0], i1, i0)
    iota = lax.broadcasted_iota(jnp.int32, (BT, K), 1)
    enc = (iota == idx[:, None]).astype(jnp.float32)
    enc_ref[...] = enc
    idx_ref[...] = idx.reshape(1, 1, BT)

    @pl.when(i == 0)
    def _init():
        cnt_ref[...] = jnp.zeros_like(cnt_ref)

    cnt_ref[...] += jnp.sum(enc, axis=0, keepdims=True)

    @pl.when(i == G - 1)
    def _fini():
        p = cnt_ref[...] * (1.0 / N)
        ent = -jnp.sum(p * jnp.log(p + 1e-10))
        ppl_ref[...] = jnp.exp(ent).reshape(1, 1)


def _vq_tc(flat, et, xsq, esq):
    return pl.pallas_call(
        _vq_tc_body,
        grid=(G,),
        in_specs=[
            pl.BlockSpec((BT, D), lambda i: (i, 0)),
            pl.BlockSpec((D, K), lambda i: (0, 0)),
            pl.BlockSpec((BT, 1), lambda i: (i, 0)),
            pl.BlockSpec((1, K), lambda i: (0, 0)),
        ],
        out_specs=[
            pl.BlockSpec((BT, K), lambda i: (i, 0)),
            pl.BlockSpec((1, 1, BT), lambda i: (i, 0, 0)),
            pl.BlockSpec((1, 1), lambda i: (0, 0)),
        ],
        out_shape=[
            jax.ShapeDtypeStruct((N, K), jnp.float32),
            jax.ShapeDtypeStruct((G, 1, BT), jnp.int32),
            jax.ShapeDtypeStruct((1, 1), jnp.float32),
        ],
        scratch_shapes=[pltpu.VMEM((1, K), jnp.float32)],
    )(flat, et, xsq, esq)


def _sc_gather_body(idx_hbm, x_hbm, emb_hbm, q_out, loss_out,
                    idx_v, rows_v, x_v, st_v, acc_v, sem):
    wid = lax.axis_index("s") * NC + lax.axis_index("c")
    base = wid * BW
    pltpu.sync_copy(idx_hbm.at[wid], idx_v)
    pltpu.sync_copy(x_hbm.at[pl.ds(base, BW)], x_v)
    for j in range(2):
        pltpu.async_copy(
            emb_hbm.at[idx_v.at[j]], rows_v.at[pl.ds(j * 128, 128)], sem
        ).wait()

    def body(r, acc):
        d0 = rows_v[r, pl.ds(0, 16)] - x_v[r, pl.ds(0, 16)]
        d1 = rows_v[r, pl.ds(16, 16)] - x_v[r, pl.ds(16, 16)]
        st_v[r, pl.ds(0, 16)] = x_v[r, pl.ds(0, 16)] + d0
        st_v[r, pl.ds(16, 16)] = x_v[r, pl.ds(16, 16)] + d1
        return acc + d0 * d0 + d1 * d1

    acc = lax.fori_loop(0, BW, body, jnp.zeros((16,), jnp.float32))
    acc_v[...] = acc
    pltpu.sync_copy(st_v, q_out.at[pl.ds(base, BW)])
    pltpu.sync_copy(acc_v, loss_out.at[wid])


def _sc_gather(idx_sc, flat, emb_pad):
    return pl.kernel(
        _sc_gather_body,
        mesh=plsc.VectorSubcoreMesh(core_axis_name="c", subcore_axis_name="s"),
        out_type=[
            jax.ShapeDtypeStruct((N, D), jnp.float32),
            jax.ShapeDtypeStruct((NW, 16), jnp.float32),
        ],
        scratch_types=[
            pltpu.VMEM((2, 128), jnp.int32),
            pltpu.VMEM((BW, 128), jnp.float32),
            pltpu.VMEM((BW, D), jnp.float32),
            pltpu.VMEM((BW, D), jnp.float32),
            pltpu.VMEM((16,), jnp.float32),
            pltpu.SemaphoreType.DMA,
        ],
    )(idx_sc, flat, emb_pad)


def kernel(inputs, emb_w):
    input_shape = inputs.shape
    flat = inputs.reshape(-1, D)
    xsq = jnp.sum(flat ** 2, axis=1, keepdims=True)
    esq = jnp.sum(emb_w ** 2, axis=1).reshape(1, K)
    et = -2.0 * emb_w.T

    encodings, idx, ppl = _vq_tc(flat, et, xsq, esq)
    idx_sc = idx.reshape(NW, 2, 128)
    emb_pad = jnp.pad(emb_w, ((0, 0), (0, 128 - D)))
    q_st, loss_parts = _sc_gather(idx_sc, flat, emb_pad)

    e_latent = jnp.sum(loss_parts) / (N * D)
    vq_loss = COMMITMENT_COST * e_latent
    quantized_st = q_st.reshape(input_shape)
    perplexity = ppl[0, 0]
    return (vq_loss, quantized_st, perplexity, encodings)

# --- scband reference (transcript-rebuilt; emitter-appended) ---
"""Pipeline reference for scband-vector-quantizer-ema-30743375905294 (READ-ONLY COPY).

The authoritative reference and input builder live on the scoring server;
editing this copy changes nothing except your own understanding.
"""

import jax, jax.numpy as jnp
import numpy as np

COMMITMENT_COST = 0.25
CODEBOOK_SIZE = 8192
EMBEDDING_DIM = 32


def setup_inputs(seed: int = 0) -> dict:
    key = jax.random.key(seed)
    k1, k2 = jax.random.split(key)
    inputs = jax.random.normal(k1, (8, 1024, EMBEDDING_DIM), dtype=jnp.float32)
    emb_w = jax.random.normal(k2, (CODEBOOK_SIZE, EMBEDDING_DIM), dtype=jnp.float32)
    return {"inputs": inputs, "emb_w": emb_w}


def reference(inputs, emb_w):
    D = emb_w.shape[1]
    K = emb_w.shape[0]
    input_shape = inputs.shape
    flat_input = inputs.reshape(-1, D)
    # input_to_ids: squared-distance argmin
    input_sq_sum = jnp.sum(flat_input ** 2, axis=1, keepdims=True)
    emb_wt_sq_sum = jnp.sum(emb_w ** 2, axis=1)
    distances = input_sq_sum + emb_wt_sq_sum - 2.0 * jnp.matmul(flat_input, emb_w.T)
    encoding_indices = jnp.argmin(distances, axis=1)
    # one-hot encodings (scatter of ones)
    encodings = jnp.zeros((flat_input.shape[0], K), dtype=jnp.float32).at[
        jnp.arange(flat_input.shape[0]), encoding_indices
    ].set(1.0)
    quantized = jnp.matmul(encodings, emb_w).reshape(input_shape)
    # eval-mode forward (no EMA buffer update)
    e_latent_loss = jnp.mean((jax.lax.stop_gradient(quantized) - inputs) ** 2)
    vq_loss = COMMITMENT_COST * e_latent_loss
    quantized_st = inputs + jax.lax.stop_gradient(quantized - inputs)
    avg_probs = jnp.mean(encodings, axis=0)
    perplexity = jnp.exp(-jnp.sum(avg_probs * jnp.log(avg_probs + 1e-10)))
    return (vq_loss, quantized_st, perplexity, encodings)

if __name__ == "__main__":
    import jax
    _d = setup_inputs()
    print(jax.jit(kernel)(*tuple(_d.values())))

</pallas_src>

<mosaic_0001>
#map = affine_map<(d0, d1) -> (0, 0, 0)>
#map1 = affine_map<(d0, d1) -> (0, 0)>
module attributes {stable_mosaic.version = 14 : i64} {
  func.func @_sc_gather_body(%arg0: i32, %arg1: i32, %arg2: memref<32x2x128xi32, #tpu.memory_space<hbm>>, %arg3: memref<8192x32xf32, #tpu.memory_space<hbm>>, %arg4: memref<8192x128xf32, #tpu.memory_space<hbm>>, %arg5: memref<8192x32xf32, #tpu.memory_space<hbm>>, %arg6: memref<32x16xf32, #tpu.memory_space<hbm>>, %arg7: memref<2x128xi32, #tpu.memory_space<vmem>>, %arg8: memref<256x128xf32, #tpu.memory_space<vmem>>, %arg9: memref<256x32xf32, #tpu.memory_space<vmem>>, %arg10: memref<256x32xf32, #tpu.memory_space<vmem>>, %arg11: memref<16xf32, #tpu.memory_space<vmem>>, %arg12: memref<!tpu.dma_semaphore, #tpu.memory_space<semaphore_mem>>) attributes {dimension_semantics = [#tpu.dimension_semantics<core_parallel>, #tpu.dimension_semantics<subcore_parallel>], iteration_bounds = array<i64: 2, 16>, scalar_prefetch = 0 : i64, scratch_operands = 6 : i64, tpu.core_type = #tpu.core_type<sc_vector_subcore>, window_params = [{transform_indices = #map}, {transform_indices = #map1}, {transform_indices = #map1}, {transform_indices = #map1}, {transform_indices = #map1}]} {
    %mul3A = arith.constant 2 : i32
    %mul3A_0 = arith.muli %arg1, %mul3A : i32
    %add3A = arith.addi %mul3A_0, %arg0 : i32
    %mul3A_1 = arith.constant 256 : i32
    %mul3A_2 = arith.muli %add3A, %mul3A_1 : i32
    "tpu.region"() ({
      %run_scoped3A = tpu.sem_alloc : memref<!tpu.dma_semaphore, #tpu.memory_space<semaphore_mem>>
      %dma_start3A_50 = arith.constant 0 : i32
      %dma_start3A_51 = arith.constant 0 : i32
      %dma_start3A_52 = tpu.memref_slice %arg2[%add3A, %dma_start3A_50, %dma_start3A_51] : memref<32x2x128xi32, #tpu.memory_space<hbm>> -> memref<1x2x128xi32, #tpu.memory_space<hbm>>
      %dma_start3A_53 = tpu.memref_squeeze %dma_start3A_52 : memref<1x2x128xi32, #tpu.memory_space<hbm>> -> memref<2x128xi32, #tpu.memory_space<hbm>>
      %dma_start3A_54 = arith.constant 0 : i32
      %dma_start3A_55 = arith.constant 0 : i32
      %dma_start3A_56 = tpu.memref_slice %arg2[%add3A, %dma_start3A_54, %dma_start3A_55] : memref<32x2x128xi32, #tpu.memory_space<hbm>> -> memref<1x2x128xi32, #tpu.memory_space<hbm>>
      %dma_start3A_57 = tpu.memref_squeeze %dma_start3A_56 : memref<1x2x128xi32, #tpu.memory_space<hbm>> -> memref<2x128xi32, #tpu.memory_space<hbm>>
      tpu.enqueue_dma source(%dma_start3A_57 : memref<2x128xi32, #tpu.memory_space<hbm>>) target(%arg7 : memref<2x128xi32, #tpu.memory_space<vmem>>) target_semaphore(%run_scoped3A : memref<!tpu.dma_semaphore, #tpu.memory_space<semaphore_mem>>)
      %dma_wait3A_58 = arith.constant 0 : i32
      %dma_wait3A_59 = arith.constant 0 : i32
      %dma_wait3A_60 = tpu.memref_slice %arg2[%add3A, %dma_wait3A_58, %dma_wait3A_59] : memref<32x2x128xi32, #tpu.memory_space<hbm>> -> memref<1x2x128xi32, #tpu.memory_space<hbm>>
      %dma_wait3A_61 = tpu.memref_squeeze %dma_wait3A_60 : memref<1x2x128xi32, #tpu.memory_space<hbm>> -> memref<2x128xi32, #tpu.memory_space<hbm>>
      %dma_wait3A_62 = arith.constant 0 : i32
      %dma_wait3A_63 = arith.constant 0 : i32
      %dma_wait3A_64 = tpu.memref_slice %arg2[%add3A, %dma_wait3A_62, %dma_wait3A_63] : memref<32x2x128xi32, #tpu.memory_space<hbm>> -> memref<1x2x128xi32, #tpu.memory_space<hbm>>
      %dma_wait3A_65 = tpu.memref_squeeze %dma_wait3A_64 : memref<1x2x128xi32, #tpu.memory_space<hbm>> -> memref<2x128xi32, #tpu.memory_space<hbm>>
      tpu.wait_dma2 semaphore(%run_scoped3A : memref<!tpu.dma_semaphore, #tpu.memory_space<semaphore_mem>>) src(%dma_wait3A_65 : memref<2x128xi32, #tpu.memory_space<hbm>>) dst(%arg7 : memref<2x128xi32, #tpu.memory_space<vmem>>)
      tpu.yield
    }) : () -> ()
    "tpu.region"() ({
      %run_scoped3A = tpu.sem_alloc : memref<!tpu.dma_semaphore, #tpu.memory_space<semaphore_mem>>
      %dma_start3A_50 = arith.constant 0 : i32
      %dma_start3A_51 = tpu.memref_slice %arg3[%mul3A_2, %dma_start3A_50] : memref<8192x32xf32, #tpu.memory_space<hbm>> -> memref<256x32xf32, #tpu.memory_space<hbm>>
      %dma_start3A_52 = arith.constant 0 : i32
      %dma_start3A_53 = tpu.memref_slice %arg3[%mul3A_2, %dma_start3A_52] : memref<8192x32xf32, #tpu.memory_space<hbm>> -> memref<256x32xf32, #tpu.memory_space<hbm>>
      tpu.enqueue_dma source(%dma_start3A_53 : memref<256x32xf32, #tpu.memory_space<hbm>>) target(%arg9 : memref<256x32xf32, #tpu.memory_space<vmem>>) target_semaphore(%run_scoped3A : memref<!tpu.dma_semaphore, #tpu.memory_space<semaphore_mem>>)
      %dma_wait3A_54 = arith.constant 0 : i32
      %dma_wait3A_55 = tpu.memref_slice %arg3[%mul3A_2, %dma_wait3A_54] : memref<8192x32xf32, #tpu.memory_space<hbm>> -> memref<256x32xf32, #tpu.memory_space<hbm>>
      %dma_wait3A_56 = arith.constant 0 : i32
      %dma_wait3A_57 = tpu.memref_slice %arg3[%mul3A_2, %dma_wait3A_56] : memref<8192x32xf32, #tpu.memory_space<hbm>> -> memref<256x32xf32, #tpu.memory_space<hbm>>
      tpu.wait_dma2 semaphore(%run_scoped3A : memref<!tpu.dma_semaphore, #tpu.memory_space<semaphore_mem>>) src(%dma_wait3A_57 : memref<256x32xf32, #tpu.memory_space<hbm>>) dst(%arg9 : memref<256x32xf32, #tpu.memory_space<vmem>>)
      tpu.yield
    }) : () -> ()
    %dma_start3A = arith.constant 0 : i32
    %dma_start3A_3 = arith.constant 0 : i32
    %dma_start3A_4 = arith.constant 0 : i32
    %dma_start3A_5 = tpu.memref_slice %arg8[%dma_start3A_3, %dma_start3A_4] : memref<256x128xf32, #tpu.memory_space<vmem>> -> memref<128x128xf32, #tpu.memory_space<vmem>>
    %dma_start3A_6 = arith.constant 0 : i32
    %dma_start3A_7 = tpu.memref_slice %arg7[%dma_start3A, %dma_start3A_6] : memref<2x128xi32, #tpu.memory_space<vmem>> -> memref<1x128xi32, #tpu.memory_space<vmem>>
    %dma_start3A_8 = tpu.memref_squeeze %dma_start3A_7 : memref<1x128xi32, #tpu.memory_space<vmem>> -> memref<128xi32, #tpu.memory_space<vmem>>
    %dma_start3A_9 = arith.constant 0 : i32
    %dma_start3A_10 = arith.constant 0 : i32
    %dma_start3A_11 = tpu.memref_slice %arg4[%dma_start3A_9, %dma_start3A_10] : memref<8192x128xf32, #tpu.memory_space<hbm>> -> memref<8192x128xf32, #tpu.memory_space<hbm>>
    tpu.enqueue_indirect_dma source(%dma_start3A_11 : memref<8192x128xf32, #tpu.memory_space<hbm>>) target(%dma_start3A_5 : memref<128x128xf32, #tpu.memory_space<vmem>>) offsets(%dma_start3A_8 : memref<128xi32, #tpu.memory_space<vmem>>) semaphore(%arg12 : memref<!tpu.dma_semaphore, #tpu.memory_space<semaphore_mem>>)
    %dma_wait3A = arith.constant 0 : i32
    %dma_wait3A_12 = arith.constant 0 : i32
    %dma_wait3A_13 = arith.constant 0 : i32
    %dma_wait3A_14 = tpu.memref_slice %arg8[%dma_wait3A_12, %dma_wait3A_13] : memref<256x128xf32, #tpu.memory_space<vmem>> -> memref<128x128xf32, #tpu.memory_space<vmem>>
    %dma_wait3A_15 = arith.constant 0 : i32
    %dma_wait3A_16 = tpu.memref_slice %arg7[%dma_wait3A, %dma_wait3A_15] : memref<2x128xi32, #tpu.memory_space<vmem>> -> memref<1x128xi32, #tpu.memory_space<vmem>>
    %dma_wait3A_17 = tpu.memref_squeeze %dma_wait3A_16 : memref<1x128xi32, #tpu.memory_space<vmem>> -> memref<128xi32, #tpu.memory_space<vmem>>
    %dma_wait3A_18 = arith.constant 0 : i32
    %dma_wait3A_19 = arith.constant 0 : i32
    %dma_wait3A_20 = tpu.memref_slice %arg4[%dma_wait3A_18, %dma_wait3A_19] : memref<8192x128xf32, #tpu.memory_space<hbm>> -> memref<8192x128xf32, #tpu.memory_space<hbm>>
    tpu.wait_indirect_dma semaphore(%arg12 : memref<!tpu.dma_semaphore, #tpu.memory_space<semaphore_mem>>) src(%dma_wait3A_20 : memref<8192x128xf32, #tpu.memory_space<hbm>>) dst(%dma_wait3A_14 : memref<128x128xf32, #tpu.memory_space<vmem>>)
    %dma_start3A_21 = arith.constant 1 : i32
    %dma_start3A_22 = arith.constant 128 : i32
    %dma_start3A_23 = arith.constant 0 : i32
    %dma_start3A_24 = tpu.memref_slice %arg8[%dma_start3A_22, %dma_start3A_23] : memref<256x128xf32, #tpu.memory_space<vmem>> -> memref<128x128xf32, #tpu.memory_space<vmem>>
    %dma_start3A_25 = arith.constant 0 : i32
    %dma_start3A_26 = tpu.memref_slice %arg7[%dma_start3A_21, %dma_start3A_25] : memref<2x128xi32, #tpu.memory_space<vmem>> -> memref<1x128xi32, #tpu.memory_space<vmem>>
    %dma_start3A_27 = tpu.memref_squeeze %dma_start3A_26 : memref<1x128xi32, #tpu.memory_space<vmem>> -> memref<128xi32, #tpu.memory_space<vmem>>
    %dma_start3A_28 = arith.constant 0 : i32
    %dma_start3A_29 = arith.constant 0 : i32
    %dma_start3A_30 = tpu.memref_slice %arg4[%dma_start3A_28, %dma_start3A_29] : memref<8192x128xf32, #tpu.memory_space<hbm>> -> memref<8192x128xf32, #tpu.memory_space<hbm>>
    tpu.enqueue_indirect_dma source(%dma_start3A_30 : memref<8192x128xf32, #tpu.memory_space<hbm>>) target(%dma_start3A_24 : memref<128x128xf32, #tpu.memory_space<vmem>>) offsets(%dma_start3A_27 : memref<128xi32, #tpu.memory_space<vmem>>) semaphore(%arg12 : memref<!tpu.dma_semaphore, #tpu.memory_space<semaphore_mem>>)
    %dma_wait3A_31 = arith.constant 1 : i32
    %dma_wait3A_32 = arith.constant 128 : i32
    %dma_wait3A_33 = arith.constant 0 : i32
    %dma_wait3A_34 = tpu.memref_slice %arg8[%dma_wait3A_32, %dma_wait3A_33] : memref<256x128xf32, #tpu.memory_space<vmem>> -> memref<128x128xf32, #tpu.memory_space<vmem>>
    %dma_wait3A_35 = arith.constant 0 : i32
    %dma_wait3A_36 = tpu.memref_slice %arg7[%dma_wait3A_31, %dma_wait3A_35] : memref<2x128xi32, #tpu.memory_space<vmem>> -> memref<1x128xi32, #tpu.memory_space<vmem>>
    %dma_wait3A_37 = tpu.memref_squeeze %dma_wait3A_36 : memref<1x128xi32, #tpu.memory_space<vmem>> -> memref<128xi32, #tpu.memory_space<vmem>>
    %dma_wait3A_38 = arith.constant 0 : i32
    %dma_wait3A_39 = arith.constant 0 : i32
    %dma_wait3A_40 = tpu.memref_slice %arg4[%dma_wait3A_38, %dma_wait3A_39] : memref<8192x128xf32, #tpu.memory_space<hbm>> -> memref<8192x128xf32, #tpu.memory_space<hbm>>
    tpu.wait_indirect_dma semaphore(%arg12 : memref<!tpu.dma_semaphore, #tpu.memory_space<semaphore_mem>>) src(%dma_wait3A_40 : memref<8192x128xf32, #tpu.memory_space<hbm>>) dst(%dma_wait3A_34 : memref<128x128xf32, #tpu.memory_space<vmem>>)
    %broadcast_in_dim3A = arith.constant 0.000000e+00 : f32
    %broadcast_in_dim3A_41 = vector.broadcast %broadcast_in_dim3A : f32 to vector<16xf32>
    %scan3A = arith.constant 0 : i32
    %scan3A_42 = arith.constant 256 : i32
    %scan3A_43 = arith.addi %scan3A, %scan3A_42 : i32
    %scan3A_44 = arith.constant 1 : i32
    %scan3A_45 = scf.for %scan3A_50 = %scan3A to %scan3A_43 step %scan3A_44 iter_args(%scan3A_51 = %broadcast_in_dim3A_41) -> (vector<16xf32>)  : i32 {
      %get3A = arith.index_cast %scan3A_50 : i32 to index
      %get3A_52 = arith.constant 0 : index
      %get3A_53 = tpu.vector_load %arg8[%get3A, %get3A_52] {strides = array<i32>} : memref<256x128xf32, #tpu.memory_space<vmem>>, vector<1x16xf32>,
      %get3A_54 = vector.shape_cast %get3A_53 : vector<1x16xf32> to vector<16xf32>
      %get3A_55 = arith.index_cast %scan3A_50 : i32 to index
      %get3A_56 = arith.constant 0 : index
      %get3A_57 = tpu.vector_load %arg9[%get3A_55, %get3A_56] {strides = array<i32>} : memref<256x32xf32, #tpu.memory_space<vmem>>, vector<1x16xf32>,
      %get3A_58 = vector.shape_cast %get3A_57 : vector<1x16xf32> to vector<16xf32>
      %sub3A = arith.subf %get3A_54, %get3A_58 : vector<16xf32>
      %get3A_59 = arith.index_cast %scan3A_50 : i32 to index
      %get3A_60 = arith.constant 16 : index
      %get3A_61 = tpu.vector_load %arg8[%get3A_59, %get3A_60] {strides = array<i32>} : memref<256x128xf32, #tpu.memory_space<vmem>>, vector<1x16xf32>,
      %get3A_62 = vector.shape_cast %get3A_61 : vector<1x16xf32> to vector<16xf32>
      %get3A_63 = arith.index_cast %scan3A_50 : i32 to index
      %get3A_64 = arith.constant 16 : index
      %get3A_65 = tpu.vector_load %arg9[%get3A_63, %get3A_64] {strides = array<i32>} : memref<256x32xf32, #tpu.memory_space<vmem>>, vector<1x16xf32>,
      %get3A_66 = vector.shape_cast %get3A_65 : vector<1x16xf32> to vector<16xf32>
      %sub3A_67 = arith.subf %get3A_62, %get3A_66 : vector<16xf32>
      %get3A_68 = arith.index_cast %scan3A_50 : i32 to index
      %get3A_69 = arith.constant 0 : index
      %get3A_70 = tpu.vector_load %arg9[%get3A_68, %get3A_69] {strides = array<i32>} : memref<256x32xf32, #tpu.memory_space<vmem>>, vector<1x16xf32>,
      %get3A_71 = vector.shape_cast %get3A_70 : vector<1x16xf32> to vector<16xf32>
      %add3A_72 = arith.addf %get3A_71, %sub3A : vector<16xf32>
      %swap3A_73 = arith.index_cast %scan3A_50 : i32 to index
      %swap3A_74 = arith.constant 0 : index
      %swap3A_75 = tpu.vector_load %arg10[%swap3A_73, %swap3A_74] {strides = array<i32>} : memref<256x32xf32, #tpu.memory_space<vmem>>, vector<1x16xf32>,
      %swap3A_76 = vector.shape_cast %swap3A_75 : vector<1x16xf32> to vector<16xf32>
      %swap3A_77 = vector.shape_cast %add3A_72 : vector<16xf32> to vector<1x16xf32>
      tpu.vector_store %arg10[%swap3A_73, %swap3A_74], %swap3A_77 {strides = array<i32>} : memref<256x32xf32, #tpu.memory_space<vmem>>, vector<1x16xf32>,
      %get3A_78 = arith.index_cast %scan3A_50 : i32 to index
      %get3A_79 = arith.constant 16 : index
      %get3A_80 = tpu.vector_load %arg9[%get3A_78, %get3A_79] {strides = array<i32>} : memref<256x32xf32, #tpu.memory_space<vmem>>, vector<1x16xf32>,
      %get3A_81 = vector.shape_cast %get3A_80 : vector<1x16xf32> to vector<16xf32>
      %add3A_82 = arith.addf %get3A_81, %sub3A_67 : vector<16xf32>
      %swap3A_83 = arith.index_cast %scan3A_50 : i32 to index
      %swap3A_84 = arith.constant 16 : index
      %swap3A_85 = tpu.vector_load %arg10[%swap3A_83, %swap3A_84] {strides = array<i32>} : memref<256x32xf32, #tpu.memory_space<vmem>>, vector<1x16xf32>,
      %swap3A_86 = vector.shape_cast %swap3A_85 : vector<1x16xf32> to vector<16xf32>
      %swap3A_87 = vector.shape_cast %add3A_82 : vector<16xf32> to vector<1x16xf32>
      tpu.vector_store %arg10[%swap3A_83, %swap3A_84], %swap3A_87 {strides = array<i32>} : memref<256x32xf32, #tpu.memory_space<vmem>>, vector<1x16xf32>,
      %mul3A_88 = arith.mulf %sub3A, %sub3A : vector<16xf32>
      %add3A_89 = arith.addf %scan3A_51, %mul3A_88 : vector<16xf32>
      %mul3A_90 = arith.mulf %sub3A_67, %sub3A_67 : vector<16xf32>
      %add3A_91 = arith.addf %add3A_89, %mul3A_90 : vector<16xf32>
      scf.yield %add3A_91 : vector<16xf32>
    }
    %scan3A_46 = arith.constant 256 : i32
    %swap3A = arith.constant 0 : index
    %swap3A_47 = tpu.vector_load %arg11[%swap3A] {strides = array<i32>} : memref<16xf32, #tpu.memory_space<vmem>>, vector<16xf32>,
    %swap3A_48 = vector.shape_cast %swap3A_47 : vector<16xf32> to vector<16xf32>
    %swap3A_49 = vector.shape_cast %scan3A_45 : vector<16xf32> to vector<16xf32>
    tpu.vector_store %arg11[%swap3A], %swap3A_49 {strides = array<i32>} : memref<16xf32, #tpu.memory_space<vmem>>, vector<16xf32>,
    "tpu.region"() ({
      %run_scoped3A = tpu.sem_alloc : memref<!tpu.dma_semaphore, #tpu.memory_space<semaphore_mem>>
      %dma_start3A_50 = arith.constant 0 : i32
      %dma_start3A_51 = tpu.memref_slice %arg5[%mul3A_2, %dma_start3A_50] : memref<8192x32xf32, #tpu.memory_space<hbm>> -> memref<256x32xf32, #tpu.memory_space<hbm>>
      %dma_start3A_52 = arith.constant 0 : i32
      %dma_start3A_53 = tpu.memref_slice %arg5[%mul3A_2, %dma_start3A_52] : memref<8192x32xf32, #tpu.memory_space<hbm>> -> memref<256x32xf32, #tpu.memory_space<hbm>>
      tpu.enqueue_dma source(%arg10 : memref<256x32xf32, #tpu.memory_space<vmem>>) target(%dma_start3A_53 : memref<256x32xf32, #tpu.memory_space<hbm>>) target_semaphore(%run_scoped3A : memref<!tpu.dma_semaphore, #tpu.memory_space<semaphore_mem>>)
      %dma_wait3A_54 = arith.constant 0 : i32
      %dma_wait3A_55 = tpu.memref_slice %arg5[%mul3A_2, %dma_wait3A_54] : memref<8192x32xf32, #tpu.memory_space<hbm>> -> memref<256x32xf32, #tpu.memory_space<hbm>>
      %dma_wait3A_56 = arith.constant 0 : i32
      %dma_wait3A_57 = tpu.memref_slice %arg5[%mul3A_2, %dma_wait3A_56] : memref<8192x32xf32, #tpu.memory_space<hbm>> -> memref<256x32xf32, #tpu.memory_space<hbm>>
      tpu.wait_dma2 semaphore(%run_scoped3A : memref<!tpu.dma_semaphore, #tpu.memory_space<semaphore_mem>>) src(%arg10 : memref<256x32xf32, #tpu.memory_space<vmem>>) dst(%dma_wait3A_57 : memref<256x32xf32, #tpu.memory_space<hbm>>)
      tpu.yield
    }) : () -> ()
    "tpu.region"() ({
      %run_scoped3A = tpu.sem_alloc : memref<!tpu.dma_semaphore, #tpu.memory_space<semaphore_mem>>
      %dma_start3A_50 = arith.constant 0 : i32
      %dma_start3A_51 = tpu.memref_slice %arg6[%add3A, %dma_start3A_50] : memref<32x16xf32, #tpu.memory_space<hbm>> -> memref<1x16xf32, #tpu.memory_space<hbm>>
      %dma_start3A_52 = tpu.memref_squeeze %dma_start3A_51 : memref<1x16xf32, #tpu.memory_space<hbm>> -> memref<16xf32, #tpu.memory_space<hbm>>
      %dma_start3A_53 = arith.constant 0 : i32
      %dma_start3A_54 = tpu.memref_slice %arg6[%add3A, %dma_start3A_53] : memref<32x16xf32, #tpu.memory_space<hbm>> -> memref<1x16xf32, #tpu.memory_space<hbm>>
      %dma_start3A_55 = tpu.memref_squeeze %dma_start3A_54 : memref<1x16xf32, #tpu.memory_space<hbm>> -> memref<16xf32, #tpu.memory_space<hbm>>
      tpu.enqueue_dma source(%arg11 : memref<16xf32, #tpu.memory_space<vmem>>) target(%dma_start3A_55 : memref<16xf32, #tpu.memory_space<hbm>>) target_semaphore(%run_scoped3A : memref<!tpu.dma_semaphore, #tpu.memory_space<semaphore_mem>>)
      %dma_wait3A_56 = arith.constant 0 : i32
      %dma_wait3A_57 = tpu.memref_slice %arg6[%add3A, %dma_wait3A_56] : memref<32x16xf32, #tpu.memory_space<hbm>> -> memref<1x16xf32, #tpu.memory_space<hbm>>
      %dma_wait3A_58 = tpu.memref_squeeze %dma_wait3A_57 : memref<1x16xf32, #tpu.memory_space<hbm>> -> memref<16xf32, #tpu.memory_space<hbm>>
      %dma_wait3A_59 = arith.constant 0 : i32
      %dma_wait3A_60 = tpu.memref_slice %arg6[%add3A, %dma_wait3A_59] : memref<32x16xf32, #tpu.memory_space<hbm>> -> memref<1x16xf32, #tpu.memory_space<hbm>>
      %dma_wait3A_61 = tpu.memref_squeeze %dma_wait3A_60 : memref<1x16xf32, #tpu.memory_space<hbm>> -> memref<16xf32, #tpu.memory_space<hbm>>
      tpu.wait_dma2 semaphore(%run_scoped3A : memref<!tpu.dma_semaphore, #tpu.memory_space<semaphore_mem>>) src(%arg11 : memref<16xf32, #tpu.memory_space<vmem>>) dst(%dma_wait3A_61 : memref<16xf32, #tpu.memory_space<hbm>>)
      tpu.yield
    }) : () -> ()
    return
  }
}

module attributes {stable_mosaic.version = 14 : i64} {
  func.func @_vq_tc_body(%arg0: i32, %arg1: memref<256x32xf32, #tpu.memory_space<vmem>>, %arg2: memref<32x8192xf32, #tpu.memory_space<vmem>>, %arg3: memref<256x1xf32, #tpu.memory_space<vmem>>, %arg4: memref<1x8192xf32, #tpu.memory_space<vmem>>, %arg5: memref<256x8192xf32, #tpu.memory_space<vmem>>, %arg6: memref<1x1x256xi32, #tpu.memory_space<vmem>>, %arg7: memref<1x1xf32, #tpu.memory_space<vmem>>, %arg8: memref<1x8192xf32, #tpu.memory_space<vmem>>) attributes {dimension_semantics = [#tpu.dimension_semantics<arbitrary>], iteration_bounds = array<i64: 32>, scalar_prefetch = 0 : i64, scratch_operands = 1 : i64, tpu.core_type = #tpu.core_type<tc>, window_params = [{transform_indices = @transform_0, window_bounds = array<i64: 256, 32>}, {pipeline_mode = #tpu.pipeline_mode<synchronous>, transform_indices = @transform_1, window_bounds = array<i64: 32, 8192>}, {transform_indices = @transform_2, window_bounds = array<i64: 256, 1>}, {pipeline_mode = #tpu.pipeline_mode<synchronous>, transform_indices = @transform_3, window_bounds = array<i64: 1, 8192>}, {transform_indices = @transform_4, window_bounds = array<i64: 256, 8192>}, {transform_indices = @transform_5, window_bounds = array<i64: 1, 1, 256>}, {pipeline_mode = #tpu.pipeline_mode<synchronous>, transform_indices = @transform_6, window_bounds = array<i64: 1, 1>}]} {
    %get3A = arith.constant 0 : index
    %get3A_0 = arith.constant 0 : index
    %get3A_1 = vector.load %arg1[%get3A, %get3A_0] : memref<256x32xf32, #tpu.memory_space<vmem>>, vector<256x32xf32>
    %get3A_2 = arith.constant 0 : index
    %get3A_3 = arith.constant 0 : index
    %get3A_4 = vector.load %arg2[%get3A_2, %get3A_3] : memref<32x8192xf32, #tpu.memory_space<vmem>>, vector<32x8192xf32>
    %dot_general3A = arith.constant dense<0.000000e+00> : vector<256x8192xf32>
    %dot_general3A_5 = tpu.matmul %get3A_1, %get3A_4, %dot_general3A {dimension_numbers = #tpu.dot_dimension_numbers<[1], [0], [0], [1], [0, 0, 1, 1], [], []>, transpose_lhs_hint = false} : vector<256x32xf32>, vector<32x8192xf32>, vector<256x8192xf32> -> vector<256x8192xf32>
    %get3A_6 = arith.constant 0 : index
    %get3A_7 = arith.constant 0 : index
    %get3A_8 = vector.load %arg3[%get3A_6, %get3A_7] : memref<256x1xf32, #tpu.memory_space<vmem>>, vector<256x1xf32>
    %get3A_9 = arith.constant 0 : index
    %get3A_10 = arith.constant 0 : index
    %get3A_11 = vector.load %arg4[%get3A_9, %get3A_10] : memref<1x8192xf32, #tpu.memory_space<vmem>>, vector<1x8192xf32>
    %add3A = vector.broadcast %get3A_8 : vector<256x1xf32> to vector<256x8192xf32>
    %add3A_12 = vector.broadcast %get3A_11 : vector<1x8192xf32> to vector<256x8192xf32>
    %add3A_13 = arith.addf %add3A, %add3A_12 : vector<256x8192xf32>
    %add3A_14 = arith.addf %add3A_13, %dot_general3A_5 : vector<256x8192xf32>
    %slice3A = vector.extract_strided_slice %add3A_14 {offsets = [0, 0], sizes = [256, 4096], strides = [1, 1]} : vector<256x8192xf32> to vector<256x4096xf32>
    %slice3A_15 = vector.extract_strided_slice %add3A_14 {offsets = [0, 4096], sizes = [256, 4096], strides = [1, 1]} : vector<256x8192xf32> to vector<256x4096xf32>
    %reduce_min3A = arith.constant dense<0x7F800000> : vector<256xf32>
    %reduce_min3A_16 = vector.multi_reduction <minimumf>, %slice3A, %reduce_min3A [1] : vector<256x4096xf32> to vector<256xf32>
    %broadcast_in_dim3A = vector.shape_cast %reduce_min3A_16 : vector<256xf32> to vector<256x1xf32>
    %reduce_min3A_17 = arith.constant dense<0x7F800000> : vector<256xf32>
    %reduce_min3A_18 = vector.multi_reduction <minimumf>, %slice3A_15, %reduce_min3A_17 [1] : vector<256x4096xf32> to vector<256xf32>
    %broadcast_in_dim3A_19 = vector.shape_cast %reduce_min3A_18 : vector<256xf32> to vector<256x1xf32>
    %iota3A = tpu.iota {dimensions = array<i32: 1>} : vector<256x4096xi32>
    %eq3A = vector.broadcast %broadcast_in_dim3A : vector<256x1xf32> to vector<256x4096xf32>
    %eq3A_20 = arith.cmpf oeq, %slice3A, %eq3A : vector<256x4096xf32>
    %jit3A = arith.constant 8192 : i32
    %broadcast_in_dim3A_21 = vector.broadcast %jit3A : i32 to vector<256x4096xi32>
    %select_n3A = arith.select %eq3A_20, %iota3A, %broadcast_in_dim3A_21 : vector<256x4096xi1>, vector<256x4096xi32>
    %reduce_min3A_22 = arith.constant dense<2147483647> : vector<256xi32>
    %reduce_min3A_23 = vector.multi_reduction <minsi>, %select_n3A, %reduce_min3A_22 [1] : vector<256x4096xi32> to vector<256xi32>
    %eq3A_24 = vector.broadcast %broadcast_in_dim3A_19 : vector<256x1xf32> to vector<256x4096xf32>
    %eq3A_25 = arith.cmpf oeq, %slice3A_15, %eq3A_24 : vector<256x4096xf32>
    %jit3A_26 = arith.constant 8192 : i32
    %broadcast_in_dim3A_27 = vector.broadcast %jit3A_26 : i32 to vector<256x4096xi32>
    %select_n3A_28 = arith.select %eq3A_25, %iota3A, %broadcast_in_dim3A_27 : vector<256x4096xi1>, vector<256x4096xi32>
    %reduce_min3A_29 = arith.constant dense<2147483647> : vector<256xi32>
    %reduce_min3A_30 = vector.multi_reduction <minsi>, %select_n3A_28, %reduce_min3A_29 [1] : vector<256x4096xi32> to vector<256xi32>
    %add3A_31 = arith.constant 4096 : i32
    %add3A_32 = vector.broadcast %add3A_31 : i32 to vector<256xi32>
    %add3A_33 = arith.addi %reduce_min3A_30, %add3A_32 : vector<256xi32>
    %convert_element_type3A = arith.truncf %broadcast_in_dim3A : vector<256x1xf32> to vector<256x1xbf16>
    %convert_element_type3A_34 = arith.extf %convert_element_type3A : vector<256x1xbf16> to vector<256x1xf32>
    %squeeze3A = vector.shape_cast %broadcast_in_dim3A_19 : vector<256x1xf32> to vector<256xf32>
    %squeeze3A_35 = vector.shape_cast %convert_element_type3A_34 : vector<256x1xf32> to vector<256xf32>
    %lt3A = arith.cmpf olt, %squeeze3A, %squeeze3A_35 : vector<256xf32>
    %select_n3A_36 = arith.select %lt3A, %add3A_33, %reduce_min3A_23 : vector<256xi1>, vector<256xi32>
    %iota3A_37 = tpu.iota {dimensions = array<i32: 1>} : vector<256x8192xi32>
    %broadcast_in_dim3A_38 = vector.shape_cast %select_n3A_36 : vector<256xi32> to vector<256x1xi32>
    %eq3A_39 = vector.broadcast %broadcast_in_dim3A_38 : vector<256x1xi32> to vector<256x8192xi32>
    %eq3A_40 = arith.cmpi eq, %iota3A_37, %eq3A_39 : vector<256x8192xi32>
    %convert_element_type3A_41 = arith.extui %eq3A_40 : vector<256x8192xi1> to vector<256x8192xi32>
    %convert_element_type3A_42 = arith.sitofp %convert_element_type3A_41 : vector<256x8192xi32> to vector<256x8192xf32>
    %swap3A = arith.constant 0 : index
    %swap3A_43 = arith.constant 0 : index
    %swap3A_44 = vector.load %arg5[%swap3A, %swap3A_43] : memref<256x8192xf32, #tpu.memory_space<vmem>>, vector<256x8192xf32>
    tpu.vector_store %arg5[%swap3A, %swap3A_43], %convert_element_type3A_42 {strides = array<i32>} : memref<256x8192xf32, #tpu.memory_space<vmem>>, vector<256x8192xf32>,
    %reshape3A = vector.shape_cast %select_n3A_36 : vector<256xi32> to vector<1x1x256xi32>
    %swap3A_45 = arith.constant 0 : index
    %swap3A_46 = arith.constant 0 : index
    %swap3A_47 = arith.constant 0 : index
    %swap3A_48 = vector.load %arg6[%swap3A_45, %swap3A_46, %swap3A_47] : memref<1x1x256xi32, #tpu.memory_space<vmem>>, vector<1x1x256xi32>
    tpu.vector_store %arg6[%swap3A_45, %swap3A_46, %swap3A_47], %reshape3A {strides = array<i32>} : memref<1x1x256xi32, #tpu.memory_space<vmem>>, vector<1x1x256xi32>,
    %eq3A_49 = arith.constant 0 : i32
    %eq3A_50 = arith.cmpi eq, %arg0, %eq3A_49 : i32
    %convert_element_type3A_51 = arith.extui %eq3A_50 : i1 to i32
    %cond3A = arith.constant 0 : i32
    %cond3A_52 = arith.cmpi ne, %convert_element_type3A_51, %cond3A : i32
    scf.if %cond3A_52 {
      %broadcast_in_dim3A_67 = arith.constant 0.000000e+00 : f32
      %broadcast_in_dim3A_68 = vector.broadcast %broadcast_in_dim3A_67 : f32 to vector<1x8192xf32>
      %swap3A_69 = arith.constant 0 : index
      %swap3A_70 = arith.constant 0 : index
      %swap3A_71 = vector.load %arg8[%swap3A_69, %swap3A_70] : memref<1x8192xf32, #tpu.memory_space<vmem>>, vector<1x8192xf32>
      tpu.vector_store %arg8[%swap3A_69, %swap3A_70], %broadcast_in_dim3A_68 {strides = array<i32>} : memref<1x8192xf32, #tpu.memory_space<vmem>>, vector<1x8192xf32>,
    } else {
    }
    %get3A_53 = arith.constant 0 : index
    %get3A_54 = arith.constant 0 : index
    %get3A_55 = vector.load %arg8[%get3A_53, %get3A_54] : memref<1x8192xf32, #tpu.memory_space<vmem>>, vector<1x8192xf32>
    %reduce_sum3A = arith.constant dense<0.000000e+00> : vector<8192xf32>
    %reduce_sum3A_56 = vector.multi_reduction <add>, %convert_element_type3A_42, %reduce_sum3A [0] : vector<256x8192xf32> to vector<8192xf32>
    %broadcast_in_dim3A_57 = vector.shape_cast %reduce_sum3A_56 : vector<8192xf32> to vector<1x8192xf32>
    %add3A_58 = arith.addf %get3A_55, %broadcast_in_dim3A_57 : vector<1x8192xf32>
    %swap3A_59 = arith.constant 0 : index
    %swap3A_60 = arith.constant 0 : index
    %swap3A_61 = vector.load %arg8[%swap3A_59, %swap3A_60] : memref<1x8192xf32, #tpu.memory_space<vmem>>, vector<1x8192xf32>
    tpu.vector_store %arg8[%swap3A_59, %swap3A_60], %add3A_58 {strides = array<i32>} : memref<1x8192xf32, #tpu.memory_space<vmem>>, vector<1x8192xf32>,
    %eq3A_62 = arith.constant 31 : i32
    %eq3A_63 = arith.cmpi eq, %arg0, %eq3A_62 : i32
    %convert_element_type3A_64 = arith.extui %eq3A_63 : i1 to i32
    %cond3A_65 = arith.constant 0 : i32
    %cond3A_66 = arith.cmpi ne, %convert_element_type3A_64, %cond3A_65 : i32
    scf.if %cond3A_66 {
      %get3A_67 = arith.constant 0 : index
      %get3A_68 = arith.constant 0 : index
      %get3A_69 = vector.load %arg8[%get3A_67, %get3A_68] : memref<1x8192xf32, #tpu.memory_space<vmem>>, vector<1x8192xf32>
      %mul3A = arith.constant 1.22070313E-4 : f32
      %mul3A_70 = vector.broadcast %mul3A : f32 to vector<1x8192xf32>
      %mul3A_71 = arith.mulf %get3A_69, %mul3A_70 : vector<1x8192xf32>
      %add3A_72 = arith.constant 1.000000e-10 : f32
      %add3A_73 = vector.broadcast %add3A_72 : f32 to vector<1x8192xf32>
      %add3A_74 = arith.addf %mul3A_71, %add3A_73 : vector<1x8192xf32>
      %log3A = math.log %add3A_74 : vector<1x8192xf32>
      %mul3A_75 = arith.mulf %mul3A_71, %log3A : vector<1x8192xf32>
      %reduce_sum3A_76 = vector.shape_cast %mul3A_75 : vector<1x8192xf32> to vector<1x1x8192xf32>
      %reduce_sum3A_77 = arith.constant dense<0.000000e+00> : vector<1xf32>
      %reduce_sum3A_78 = vector.multi_reduction <add>, %reduce_sum3A_76, %reduce_sum3A_77 [1, 2] : vector<1x1x8192xf32> to vector<1xf32>
      %reduce_sum3A_79 = vector.shape_cast %reduce_sum3A_78 : vector<1xf32> to vector<1x1x1xf32>
      %reduce_sum3A_80 = vector.extract %reduce_sum3A_79[0, 0, 0] : f32 from vector<1x1x1xf32>
      %neg3A = arith.constant 0.000000e+00 : f32
      %neg3A_81 = arith.subf %neg3A, %reduce_sum3A_80 : f32
      %exp3A = math.exp %neg3A_81 : f32
      %reshape3A_82 = vector.broadcast %exp3A : f32 to vector<1x1xf32>
      %swap3A_83 = arith.constant 0 : index
      %swap3A_84 = arith.constant 0 : index
      %swap3A_85 = vector.load %arg7[%swap3A_83, %swap3A_84] : memref<1x1xf32, #tpu.memory_space<vmem>>, vector<1x1xf32>
      tpu.vector_store %arg7[%swap3A_83, %swap3A_84], %reshape3A_82 {strides = array<i32>} : memref<1x1xf32, #tpu.memory_space<vmem>>, vector<1x1xf32>,
    } else {
    }
    return
  }
  func.func @transform_0(%arg0: i32) -> (i32, i32) {
    %c0_i32 = arith.constant 0 : i32
    %c0_i32_0 = arith.constant 0 : i32
    return %arg0, %c0_i32 : i32, i32
  }
  func.func @transform_1(%arg0: i32) -> (i32, i32) {
    %c0_i32 = arith.constant 0 : i32
    %c0_i32_0 = arith.constant 0 : i32
    %c0_i32_1 = arith.constant 0 : i32
    return %c0_i32, %c0_i32_0 : i32, i32
  }
  func.func @transform_2(%arg0: i32) -> (i32, i32) {
    %c0_i32 = arith.constant 0 : i32
    %c0_i32_0 = arith.constant 0 : i32
    return %arg0, %c0_i32 : i32, i32
  }
  func.func @transform_3(%arg0: i32) -> (i32, i32) {
    %c0_i32 = arith.constant 0 : i32
    %c0_i32_0 = arith.constant 0 : i32
    %c0_i32_1 = arith.constant 0 : i32
    return %c0_i32, %c0_i32_0 : i32, i32
  }
  func.func @transform_4(%arg0: i32) -> (i32, i32) {
    %c0_i32 = arith.constant 0 : i32
    %c0_i32_0 = arith.constant 0 : i32
    return %arg0, %c0_i32 : i32, i32
  }
  func.func @transform_5(%arg0: i32) -> (i32, i32, i32) {
    %c0_i32 = arith.constant 0 : i32
    %c0_i32_0 = arith.constant 0 : i32
    %c0_i32_1 = arith.constant 0 : i32
    return %arg0, %c0_i32, %c0_i32_0 : i32, i32, i32
  }
  func.func @transform_6(%arg0: i32) -> (i32, i32) {
    %c0_i32 = arith.constant 0 : i32
    %c0_i32_0 = arith.constant 0 : i32
    %c0_i32_1 = arith.constant 0 : i32
    return %c0_i32, %c0_i32_0 : i32, i32
  }
}

</mosaic_0001>

<sc_bundles>
// kernel: kernel.4.cloned.1.call-start
scs
__scs_entry_jumppad:
0x0: {  	(pc) =	sbr.rel $0x88, $3  }
0x1: {  	(tag) =	ssettag $0x0;
	lr =	simm.s32 $0x1  }
0x2: {  	[smem:$0x3F9F] =	sst lr;
	_ =	strace $0xD0000000  }
0x3: {  	_ = 	snop  }
0x4: {  	_ = 	snop  }
0x5: {  	_ = 	snop  }
0x6: {  	_ = 	snop  }
0x7: {  	_ = 	snop  }
__scs_overlays_trampoline_lowered:
0x8: {  	[smem:$0x3FAE] =	sst s0  }
0x9: {  	[smem:$0x3FAF] =	sst s1  }
0xa: {  	[smem:$0x3FB0] =	sst s2  }
0xb: {  	[smem:$0x3FB1] =	sst s3  }
0xc: {  	[smem:$0x3FB2] =	sst s4  }
0xd: {  	[smem:$0x3FB3] =	sst s5  }
0xe: {  	[smem:$0x3FB4] =	sst s6  }
0xf: {  	[smem:$0x3FB5] =	sst s7  }
0x10: {  	[smem:$0x3FB6] =	sst s8  }
0x11: {  	[smem:$0x3FB7] =	sst s9;
	s0 =	simm.s32 @!p0 $0x0  }
0x12: {  	s1 =	sld [smem:$0x3F9D];
	s0 =	simm.s32 @p0 $0x1  }
0x13: {  	[smem:$0x3FB8] =	sst s0;
	s0 =	simm.s32 @!p1 $0x0  }
0x14: {  	s2 =	sld [smem:$0x3F9C];
	s0 =	simm.s32 @p1 $0x1  }
0x15: {  	[smem:$0x3FB9] =	sst s0;
	s0 =	simm.s32 @!p2 $0x0  }
0x16: {  	s3 =	sld [smem:$0x3FDB];
	s0 =	simm.s32 @p2 $0x1  }
0x17: {  	s4 =	simm.s32 $0x1BF5;
	[smem:$0x3FBB] =	sst s0  }
0x18: {  	s0 =	sld [smem:$0x3F9E];
	_ =	swait.ge [sflag:s4], $0x0  }
0x19: {  	s7 =	sld [smem:$0x3F9F]  }
0x1a: {  	s8 =	sadd.s32 $0xFFFFE003, lr  }
0x1b: {  	s9 =	sadd.s32 $0xFFFFFEF7, lr;
	s5 =	simm.s32 $0xFFFFFFFF;
	p2 =	slt.u32 s8, $0xFFFFF086  }
0x1c: {  	p1 =	slt.u32 s9, $0xF7A;
	s5 =	simm.s32 @!p2 $0x0  }
0x1d: {  	s5 =	simm.s32 @p1 $0x1;
	p0 =	seq.s32 s7, s2  }
0x1e: {  	s7 =	smul.u32 @!p0 $0xF7A, s2;
	p2 =	seq.s32 @!p0 s5, $0x0  }
0x1f: {  	s9 =	smul.u32 $0xF7A, s1;
	s8 =	simm.s32 @!p0 $0x1BF5;
	p2 =	por !p2, p0  }
0x20: {  	[sflag:s8] =	ssyncset.s32 @!p0 $0xFFFFF086;
	s6 =	sadd.s32 @!p0 s3, s7;
	s7 =	simm.s32 @!p0 $0x108  }
0x21: {  	s3 =	sadd.s32 s3, s9;
	s6 =	sadd.s32 @!p0 $0x88, s6;
	s7 =	simm.s32 @p2 $0x1082  }
0x22: {  	[simem:s7], [sflag:s8] =	dma.local @!p0 [hbm:s6], $0xF7A  }
0x23: {  	s9 =	sor.u32 $0xD0000000, s2;
	s6 =	simm.s32 $0x108;
	_ =	swait.ge @!p0 [sflag:s8], $0x0  }
0x24: {  	s3 =	sadd.s32 $0x88, s3;
	s6 =	simm.s32 @!p1 $0x1082;
	[sflag:s4] =	ssyncset.s32 $0xFFFFF086  }
0x25: {  	[simem:s6], [sflag:s4] =	dma.local [hbm:s3], $0xF7A  }
0x26: {  	[smem:$0x3F9F] =	sst s1;
	(tag) =	ssettag s2;
	_ =	strace s9  }
0x27: {  	s1 =	sld [smem:$0x3FAF]  }
0x28: {  	s2 =	sld [smem:$0x3FB0]  }
0x29: {  	s4 =	sld [smem:$0x3FB2]  }
0x2a: {  	p0 =	seq.s32 s5, $0x0;
	s5 =	sld [smem:$0x3FB3]  }
0x2b: {  	s6 =	sld [smem:$0x3FB4]  }
0x2c: {  	s7 =	sld [smem:$0x3FB5]  }
0x2d: {  	s3 =	simm.s32 $0x108;
	s8 =	sld [smem:$0x3FB6]  }
0x2e: {  	s3 =	simm.s32 @!p0 $0x1082;
	s9 =	sld [smem:$0x3FB7]  }
0x2f: {  	lr =	sadd.s32 s0, s3;
	s0 =	sld [smem:$0x3FAE]  }
0x30: {  	s3 =	sld [smem:$0x3FB1]  }
0x31: {  	[smem:$0x3FBA] =	sst s10  }
0x32: {  	s10 =	sld [smem:$0x3FB8];
	_ =	sdelay $0x3  }
0x33: {  	p0 =	seq.s32 s10, $0x1;
	s10 =	sld [smem:$0x3FBA];
	_ =	sdelay $0x3  }
0x34: {  	[smem:$0x3FBA] =	sst s10  }
0x35: {  	s10 =	sld [smem:$0x3FB9];
	_ =	sdelay $0x3  }
0x36: {  	p1 =	seq.s32 s10, $0x1;
	s10 =	sld [smem:$0x3FBA];
	_ =	sdelay $0x3  }
0x37: {  	[smem:$0x3FBA] =	sst s10  }
0x38: {  	s10 =	sld [smem:$0x3FBB]  }
0x39: {  	_ = 	snop;
	(pc) =	sbr.ind lr, $3  }
0x3a: {  	_ = 	snop  }
0x3b: {  	_ = 	snop  }
0x3c: {  	p2 =	seq.s32 s10, $0x1;
	s10 =	sld [smem:$0x3FBA]  }
0x3d: {  	_ =	shalt  }
0x3e: {  	_ =	shalt  }
0x3f: {  	_ =	shalt  }
0x40: {  	_ =	shalt  }
0x41: {  	_ =	shalt  }
0x42: {  	_ =	shalt  }
0x43: {  	_ =	shalt  }
0x44: {  	_ =	shalt  }
0x45: {  	_ =	shalt  }
0x46: {  	_ =	shalt  }
0x47: {  	_ =	shalt  }
0x48: {  	_ =	shalt  }
0x49: {  	_ =	shalt  }
0x4a: {  	_ =	shalt  }
0x4b: {  	_ =	shalt  }
0x4c: {  	_ =	shalt  }
0x4d: {  	_ =	shalt  }
0x4e: {  	_ =	shalt  }
0x4f: {  	_ =	shalt  }
0x50: {  	_ =	shalt  }
0x51: {  	_ =	shalt  }
0x52: {  	_ =	shalt  }
0x53: {  	_ =	shalt  }
0x54: {  	_ =	shalt  }
0x55: {  	_ =	shalt  }
0x56: {  	_ =	shalt  }
0x57: {  	_ =	shalt  }
0x58: {  	_ =	shalt  }
0x59: {  	_ =	shalt  }
0x5a: {  	_ =	shalt  }
0x5b: {  	_ =	shalt  }
0x5c: {  	_ =	shalt  }
0x5d: {  	_ =	shalt  }
0x5e: {  	_ =	shalt  }
0x5f: {  	_ =	shalt  }
0x60: {  	_ =	shalt  }
0x61: {  	_ =	shalt  }
0x62: {  	_ =	shalt  }
0x63: {  	_ =	shalt  }
0x64: {  	_ =	shalt  }
0x65: {  	_ =	shalt  }
0x66: {  	_ =	shalt  }
0x67: {  	_ =	shalt  }
0x68: {  	_ =	shalt  }
0x69: {  	_ =	shalt  }
0x6a: {  	_ =	shalt  }
0x6b: {  	_ =	shalt  }
0x6c: {  	_ =	shalt  }
0x6d: {  	_ =	shalt  }
0x6e: {  	_ =	shalt  }
0x6f: {  	_ =	shalt  }
0x70: {  	_ =	shalt  }
0x71: {  	_ =	shalt  }
0x72: {  	_ =	shalt  }
0x73: {  	_ =	shalt  }
0x74: {  	_ =	shalt  }
0x75: {  	_ =	shalt  }
0x76: {  	_ =	shalt  }
0x77: {  	_ =	shalt  }
0x78: {  	_ =	shalt  }
0x79: {  	_ =	shalt  }
0x7a: {  	_ =	shalt  }
0x7b: {  	_ =	shalt  }
0x7c: {  	_ =	shalt  }
0x7d: {  	_ =	shalt  }
0x7e: {  	_ =	shalt  }
0x7f: {  	_ =	shalt  }
0x80: {  	_ =	shalt  }
0x81: {  	_ =	shalt  }
0x82: {  	_ =	shalt  }
0x83: {  	_ =	shalt  }
0x84: {  	_ =	shalt  }
0x85: {  	_ =	shalt  }
0x86: {  	_ =	shalt  }
0x87: {  	_ =	shalt  }
.Lfunc_end0:
.L_simem_size_0:
called_computation_lowered:
.L_overlay_start_0:
0x88: {  	s2 =	sld [smem:$0x3FD9]  }
0x89: {  	s3 =	sld [smem:$0x3FFE];
	_ =	sdelay $0x1  }
0x8a: {  	s1 =	srdreg.scid  }
0x8b: {  	s0 =	sand.u32 $0x1, s1  }
0x8c: {  	s14 =	sshll.u32 s0, $0xA;
	s2 =	sadd.s32 s3, s2  }
0x8d: {  	s2 =	sadd.s32 s2, s14  }
0x8e: {  	[smem:$0x3FC6] =	sst s2  }
0x8f: {  	_ = 	snop  }
0x90: {  	s2 =	sld [smem:$0x3FD0];
	_ =	sdelay $0x2  }
0x91: {  	s15 =	simm.s32 $0xA;
	s4 =	simm.s32 $0x10  }
0x92: {  	[smem:s4], [sflag:s15] =	dma.local [hbm:s2], $0x1  }
0x93: {  	_ =	swait.eq [sflag:s15], $0x1  }
0x94: {  	[sflag:s15] =	ssyncset.done $0x0  }
0x95: {  	[sflag:s15] =	ssyncadd.s32 $0xFFFFFFFF  }
0x96: {  	s16 =	sld [smem:$0x11];
	(tm) =	ssettm $0x1  }
0x97: {  	s17 =	sld [smem:$0x3FFB];
	_ =	sdelay $0x3  }
0x98: {  	_ =	strace s17  }
0x99: {  	s3 =	sld [smem:$0x3FFC];
	_ =	sdelay $0x3  }
0x9a: {  	_ =	strace s3  }
0x9b: {  	s3 =	sld [smem:$0x3FFD];
	_ =	sdelay $0x3  }
0x9c: {  	_ =	strace s3  }
0x9d: {  	_ =	strace $0x8FFFFFFF  }
0x9e: {  	s18 =	sld [smem:$0x3FDB];
	_ =	sdelay $0x1  }
0x9f: {  	s19 =	simm.s32 $_scs_section_size  }
0xa0: {  	s5 =	simm.s32 $_size__tile_overlayer_lowered;
	s6 =	simm.s32 $_tile_overlayer_lowered  }
0xa1: {  	s22 =	simm.s32 $0x1BFF;
	s21 =	sshll.u32 s6, $0x1;
	s3 =	sadd.s32 s19, s18  }
0xa2: {  	s7 =	simm.s32 $0x0;
	s20 =	sshll.u32 s5, $0x1;
	s5 =	sadd.s32 s21, s3  }
0xa3: {  	[timem:s7], [sflag:s22] =	dma.local [hbm:s5], s20  }
0xa4: {  	_ =	swait.ge [sflag:s22], s20  }
0xa5: {  	s4 =	ssub.s32 $0x0, s20;
	[sflag:s22] =	ssyncset.done $0x0  }
0xa6: {  	[sflag:s22] =	ssyncadd.s32 s4;
	_ =	sdelay $0x1  }
0xa7: {  	s23 =	simm.s32 $0x1B8B  }
0xa8: {  	_ =	swait.ge [sflag:s23], $0x1  }
0xa9: {  	[sflag:s23] =	ssyncset.done $0x0  }
0xaa: {  	s25 =	simm.s32 $0x1B8E;
	s24 =	sld [smem:$0x3FFE];
	[sflag:s23] =	ssyncadd.s32 $0xFFFFFFFF  }
0xab: {  	s26 =	simm.s32 $execute0_lowered;
	[smem:$0x3FD2] =	sst s25  }
0xac: {  	s5 =	sshll.u32 s26, $0x1;
	_ =	strace $0x80000046;
	[dreg:$0x1] =	wrdreg $0xFFFFFFFF  }
0xad: {  	s28 =	simm.s32 $_size_execute0_lowered;
	s3 =	sadd.s32 s3, s5;
	[dreg:$0x0] =	wrdreg $0x0  }
0xae: {  	s5 =	sshll.u32 s28, $0x1;
	[dreg:$0x2] =	wrdreg s3  }
0xaf: {  	[dreg:$0x3] =	wrdreg s5  }
0xb0: {  	[dreg:$0x4] =	wrdreg $0xC0  }
0xb1: {  	_ =	task [dreg:s7], $0x5FFFF  }
0xb2: {  	[dreg:$0x1] =	wrdreg $0xFFFFFFFF  }
0xb3: {  	[dreg:$0x0] =	wrdreg $0x60  }
0xb4: {  	[dreg:$0x2] =	wrdreg s16  }
0xb5: {  	[dreg:$0x3] =	wrdreg s24  }
0xb6: {  	[dreg:$0x4] =	wrdreg $0x9  }
0xb7: {  	_ =	task.clear_ibuf [dreg:s7], $0x5FFFF;
	_ =	strace $0x90000046  }
0xb8: {  	s29 =	simm.s32 $0x9;
	_ =	strace $0x80000048  }
0xb9: {  	_ =	swait.ge [sflag:s29], $0x1  }
0xba: {  	[sflag:s29] =	ssyncadd.s32 $0xFFFFFFFF  }
0xbb: {  	_ =	strace $0x90000048  }
0xbc: {  	_ =	sfence  }
0xbd: {  	s30 =	sld [smem:$0x0];
	_ =	sdelay $0x2  }
0xbe: {  	s31 =	sshll.u32 s1, $0xD;
	s1 =	sshrl.u32 s1, $0x2  }
0xbf: {  	s3 =	sand.u32 $0x4000, s31;
	s1 =	sadd.s32 s1, s30  }
0xc0: {  	s0 =	sor.u32 s3, s0;
	s1 =	sshll.u32 s1, $0x11  }
0xc1: {  	s0 =	sor.u32 s1, s0  }
0xc2: {  	s0 =	sadd.s32 $0x8F2B, s0  }
0xc3: {  	[sflag:s0] =	ssyncadd.remote.s32 $0x1  }
0xc4: {  	_ =	sfence.sel $0xFFFF  }
0xc5: {  	[dreg:$0x0] =	wrdreg $0xFFFFFFFF;
	(pc) =	sbr.abs _section_cstart, $3  }
0xc6: {  	[dreg:$0x1] =	wrdreg $0xFFFFFFFF  }
0xc7: {  	_ =	task.clear_ibuf [dreg:s7], $0x2FFFF;
	_ =	strace $0x9FFFFFFF  }
0xc8: {  	(tm) =	ssettm $0x7FFFFFFF  }
0xc9: {  	_ =	shalt  }
tec
execute0_lowered:
.L_overlay_start_1:
0x0: {  	(tag) =	ssettag $0x1  }
0x1: {  	s4 =	rddreg [dreg:$0x0]  }
0x2: {  	s5 =	rddreg [dreg:$0x1]  }
0x3: {  	s0 =	rddreg [dreg:$0x2];
	s3 =	srdreg.scid  }
0x4: {  	s1 =	stileid.u32;
	s2 =	simm.s32 $0x0;
	s11 =	simm.s32 $0x80  }
0x5: {  	s12 =	simm.s32 $0x100;
	s13 =	simm.s32 $0x1;
	s14 =	simm.s32 $0x4100  }
0x6: {  	s15 =	simm.s32 $0x10100;
	s16 =	simm.s32 $0x18100;
	s17 =	simm.s32 $0x0  }
0x7: {  	s6 =	sand.u32 $0x1, s3;
	s30 =	sshll.u32 s1, $0x1;
	[smem:$0x7FF] =	sst s2  }
0x8: {  	s3 =	sadd.s32 $0x20600, s5;
	s7 =	sor.u32 s6, s30;
	_ =	strace $0x80000047  }
0x9: {  	s6 =	ssub.s32 $0x2, s6;
	s8 =	sshll.u32 s7, $0xC;
	s9 =	sshll.u32 s7, $0x4  }
0xa: {  	s31 =	sshrl.u32 s6, $0x1;
	s7 =	sshll.u32 s7, $0x5;
	s8 =	sadd.s32 s8, s5  }
0xb: {  	s9 =	sadd.s32 s9, s5;
	s10 =	ssub.s32 s6, s31;
	s4 =	sadd.s32 s4, s7  }
0xc: {  	s5 =	sadd.s32 $0x600, s8;
	s6 =	sadd.s32 $0x40600, s8;
	s7 =	sadd.s32 $0x60600, s9  }
0xd: {  	s8 =	smax.u32 s10, $0x1;
	s9 =	simm.s32 $0x2;
	s10 =	simm.s32 $0x8100  }
.LBB2_1:
0xe: {  	[tilespmem:s2], [sflag:$0x2] =	stream.linear.gather [hbm4b:s4+s2], $0x100, $0x38;
	[tilespmem:$0x18180] =	vst v63  }
0xf: {  	_ =	swait.ge [sflag:s9], $0x100  }
0x10: {  	[sflag:s9] =	ssyncset.done $0x0  }
0x11: {  	[sflag:s9] =	ssyncadd.s32 $0xFFFFFF00  }
0x12: {  	[tilespmem:s10], [sflag:$0x2] =	stream.linear.gather [hbm4b:s5+s2], $0x8000, $0x38;
	[tilespmem:$0x18180] =	vst v63  }
0x13: {  	_ =	swait.ge [sflag:s9], $0x8000  }
0x14: {  	[sflag:s9] =	ssyncset.done $0x0  }
0x15: {  	[sflag:s9] =	ssyncadd.s32 $0xFFFF8000  }
0x16: {  	[tilespmem:s12], [sflag:$0x1] =	stream.indirect.gather [hbm4b:s3+s11], $0x80, s2, s11, $0xb8;
	[tilespmem:$0x18180] =	vst v63  }
0x17: {  	_ =	swait.ge [sflag:s13], $0x4000  }
0x18: {  	[sflag:s13] =	ssyncset.done $0x0  }
0x19: {  	[sflag:s13] =	ssyncadd.s32 $0xFFFFC000  }
0x1a: {  	[tilespmem:s14], [sflag:$0x1] =	stream.indirect.gather [hbm4b:s3+s11], $0x80, s11, s11, $0xb8;
	[tilespmem:$0x18180] =	vst v63  }
0x1b: {  	_ =	swait.ge [sflag:s13], $0x4000  }
0x1c: {  	[sflag:s13] =	ssyncset.done $0x0  }
0x1d: {  	s19 =	simm.s32 $0x0;
	[sflag:s13] =	ssyncadd.s32 $0xFFFFC000  }
0x1e: {  	v0 =	vld [tilespmem:s19+$0x100]  }
0x1f: {  	v3 =	vld [tilespmem:s19+$0x8100]  }
0x20: {  	v4 =	vld [tilespmem:s19+$0x110]  }
0x21: {  	v5 =	vld [tilespmem:s19+$0x8110];
	_ =	sdelay $0x1  }
0x22: {  	s18 =	simm.s32 $0x80  }
0x23: {  	v1 =	vld [tilespmem:s18+$0x100];
	v6 =	vsub.f32 v0, v3  }
0x24: {  	v0 =	vld [tilespmem:s18+$0x8100]  }
0x25: {  	v2 =	vld [tilespmem:s18+$0x110];
	v7 =	vsub.f32 v4, v5;
	v4 =	vadd.f32 v6, v3;
	v6 =	vmul.f32 v6, v6  }
0x26: {  	v8 =	vimm.f32 $0.0e+00;
	v3 =	vld [tilespmem:s18+$0x8110]  }
0x27: {  	s20 =	simm.s32 $0x400;
	[tilespmem:s19+$0x10100] =	vst v4;
	v4 =	vadd.f32 v5, v7;
	v5 =	vadd.f32 v6, v8;
	v6 =	vmul.f32 v7, v7  }
.LBB2_2:
0x28: {  	s21 =	sshra.s32 s20, $0x2;
	p0 =	sne.s32 s20, $0x1FE00  }
.Ltmp0:
0x29: {  	s20 =	sadd.s32 $0x200, s20;
	v7 =	vsub.f32 v1, v0;
	v1 =	vld [tilespmem:s21+$0x100];
	[tilespmem:s19+$0x10110] =	vst v4;
	v5 =	vadd.f32 v6, v5;
	v4 =	vmov v0;
	(pc) =	sbr.rel @p0 .LBB2_2-.Ltmp0, $4  }
0x2a: {  	s19 =	smov.u32 s18;
	s18 =	smov.u32 s21;
	v0 =	vld [tilespmem:s21+$0x8100]  }
0x2b: {  	v6 =	vsub.f32 v2, v3;
	v2 =	vld [tilespmem:s18+$0x110];
	v4 =	vadd.f32 v7, v4;
	v7 =	vmul.f32 v7, v7;
	v8 =	vmovc v3  }
0x2c: {  	v3 =	vld [tilespmem:s18+$0x8110]  }
0x2d: {  	[tilespmem:s19+$0x10100] =	vst v4;
	v4 =	vadd.f32 v8, v6;
	v5 =	vadd.f32 v7, v5;
	v6 =	vmul.f32 v6, v6  }
0x2e: {  	_ = 	snop  }
0x2f: {  	v1 =	vsub.f32 v1, v0;
	_ =	sdelay $0x1  }
0x30: {  	v5 =	vadd.f32 v6, v5;
	v2 =	vsub.f32 v2, v3;
	v60 =	vmul.f32 v1, v1;
	_ =	sdelay $0x1  }
0x31: {  	v0 =	vadd.f32 v1, v0;
	v61 =	vadd.f32 v60, v5;
	v62 =	vmul.f32 v2, v2  }
0x32: {  	[tilespmem:s19+$0x10110] =	vst v4;
	v2 =	vadd.f32 v3, v2  }
0x33: {  	[tilespmem:s18+$0x10100] =	vst v0;
	v63 =	vadd.f32 v62, v61  }
0x34: {  	[tilespmem:s18+$0x10110] =	vst v2  }
0x35: {  	[tilespmem:$0x18100] =	vst v63  }
0x36: {  	[hbm4b:s6+s2] =	stream.linear.scatter [tilespmem:s15], [sflag:$0x2], $0x8000, $0x38;
	[tilespmem:$0x18180] =	vst v63  }
0x37: {  	s17 =	sadd.s32 $0x1, s17;
	_ =	swait.ge [sflag:s9], $0x8000  }
0x38: {  	p0 =	sne.s32 s17, s8;
	[sflag:s9] =	ssyncset.done $0x0  }
.Ltmp1:
0x39: {  	[sflag:s9] =	ssyncadd.s32 $0xFFFF8000;
	(pc) =	sbr.rel @p0 .LBB2_1-.Ltmp1, $4  }
0x3a: {  	[hbm4b:s7+s2] =	stream.linear.scatter [tilespmem:s16], [sflag:$0x2], $0x80, $0x38;
	[tilespmem:$0x18180] =	vst v63  }
0x3b: {  	_ =	swait.ge [sflag:s9], $0x80  }
0x3c: {  	[sflag:s9] =	ssyncset.done $0x0  }
0x3d: {  	[sflag:s9] =	ssyncadd.s32 $0xFFFFFF80  }
0x3e: {  	_ =	sfence.sel $0x180000  }
0x3f: {  	[bflag:$0x0] =	sbarrier.arrive $0xFFFF  }
0x40: {  	p0 =	sne.s32 s1, $0x0;
	_ =	strace $0x90000047  }
0x41: {  	s0 =	sadd.s32 @!p0 $0x100000, s0;
	[bflag:$0x2] =	sbarrier.arrive $0xFFFF  }
0x42: {  	[sflag:s0] =	ssyncadd.tile.s32 @!p0 $0x1;
	_ =	shalt  }
.Lfunc_end2:
_tile_overlayer_lowered:
.L_overlay_start_2:
0x43: {  	(tag) =	ssettag $0x2  }
0x44: {  	s0 =	rddreg [dreg:$0x0];
	s2 =	stileid.u32  }
0x45: {  	s1 =	rddreg [dreg:$0x1];
	p0 =	sne.s32 s2, $0x0  }
0x46: {  	s3 =	rddreg [dreg:$0x2];
	[bflag:$0x3] =	sbarrier.arrive $0xFFFF;
	s2 =	simm.s32 @!p0 $0x1C02  }
0x47: {  	[timem:s3], [sflag:s2] =	dma.local @!p0 [hbm:s0], s1  }
0x48: {  	s0 =	simm.s32 @!p0 $0x2  }
0x49: {  	_ =	swait.ge @!p0 [sflag:s0], s1  }
0x4a: {  	s1 =	ssub.s32 @!p0 $0x0, s1;
	[sflag:s0] =	ssyncset.done @!p0 $0x0  }
0x4b: {  	[sflag:s0] =	ssyncadd.s32 @!p0 s1  }
0x4c: {  	[bflag:$0x3] =	sbarrier.arrive $0xFFFF  }
0x4d: {  	_ =	shalt  }

</sc_bundles>
